<compile_context>
chip_gen: v7x
topology: tpu7x:2x2x1
jax: 0.10.2.dev20260603
libtpu: 0.0.44.dev20260713+nightly
codegen_flags: <defaults>
</compile_context>

<pallas_src>
import functools

import jax
import jax.numpy as jnp
from jax import lax
from jax.experimental import pallas as pl
from jax.experimental.pallas import tpu as pltpu
from jax.experimental.pallas import tpu_sc as plsc

NCOL = 4096
W = 4096
NSUB = 32
CPW = NCOL // NSUB


def _sc_probe(xt_hbm, out_hbm, col_v, hist_v, thr_v, sem):
    nc = 2
    wid = lax.axis_index("s") * nc + lax.axis_index("c")
    base = wid * CPW
    lane = lax.broadcasted_iota(jnp.int32, (16,), 0)
    ones16 = jnp.ones((16,), jnp.int32)
    zeros16 = jnp.zeros((16,), jnp.int32)

    def one_col(c, carry):
        pltpu.sync_copy(xt_hbm.at[base + c], col_v)

        def z(j, _):
            hist_v[pl.ds(j * 16, 16)] = zeros16
            return 0
        lax.fori_loop(0, 256, z, 0)

        def h(j, _):
            v = col_v[pl.ds(j * 16, 16)]
            e = (v >> 23) & 0xFF
            idx = e * 16 + lane
            plsc.addupdate_scatter(hist_v, [idx], ones16)
            return 0
        lax.fori_loop(0, 256, h, 0)

        def s(j, acc):
            return acc + hist_v[pl.ds((255 - j) * 16, 16)]
        acc = lax.fori_loop(0, 256, s, zeros16)
        tot = lax.reduce_sum_p.bind(acc, axes=(0,))
        thr_v[pl.ds(0, 16)] = jnp.broadcast_to(tot, (16,)) + zeros16
        return carry
    lax.fori_loop(0, CPW, one_col, 0)
    pltpu.sync_copy(thr_v, out_hbm.at[pl.ds(wid * 16, 16)])


def kernel(x):
    bits = lax.bitcast_convert_type(jnp.abs(x), jnp.int32)
    xt = jnp.swapaxes(bits, -2, -1).reshape(NCOL, W)

    mesh = plsc.VectorSubcoreMesh(core_axis_name="c", subcore_axis_name="s")
    thr = pl.kernel(
        _sc_probe,
        mesh=mesh,
        compiler_params=pltpu.CompilerParams(needs_layout_passes=False),
        out_type=jax.ShapeDtypeStruct((NSUB * 16,), jnp.int32),
        scratch_types=[
            pltpu.VMEM((W,), jnp.int32),
            pltpu.VMEM((4096,), jnp.int32),
            pltpu.VMEM((16,), jnp.int32),
            pltpu.SemaphoreType.DMA,
        ],
    )(xt)
    t = thr[0].astype(jnp.float32)
    return jnp.where(jnp.abs(x) >= t, x, 0.0)

# --- scband reference (transcript-rebuilt; emitter-appended) ---
"""Pipeline reference for scband-hard-thr-layer-65085934403758 (READ-ONLY COPY).

The authoritative reference and input builder live on the scoring server;
editing this copy changes nothing except your own understanding.
"""

import jax, jax.numpy as jnp
import numpy as np

OMEGA = 256


def setup_inputs(seed: int = 0) -> dict:
    key = jax.random.key(seed)
    x = jax.random.normal(key, (32, 4096, 128), dtype=jnp.float32)
    return {"x": x}


def _scatter_zero_lastaxis(xt, idx):
    # xt: [..., w], idx: [..., k]; sets xt[..., idx] = 0 along last axis
    w = xt.shape[-1]
    flat_x = xt.reshape(-1, w)
    flat_idx = idx.reshape(-1, idx.shape[-1])
    rows = jnp.arange(flat_x.shape[0])[:, None]
    flat_x2 = flat_x.at[rows, flat_idx].set(0.0)
    return flat_x2.reshape(xt.shape)


def reference(x):
    # Hard thresholding: zero all but the OMEGA largest-|.| values along dim=-2.
    w = x.shape[-2]
    inv_omega = w - OMEGA
    # move the thresholded axis to last for lax.top_k
    xt = jnp.swapaxes(x, -2, -1)  # [B, d, w]
    neg_abs = -jnp.abs(xt)
    _, idx = jax.lax.top_k(neg_abs, inv_omega)  # indices of the (w - OMEGA) smallest-|.| entries
    x2t = _scatter_zero_lastaxis(xt, idx)
    return jnp.swapaxes(x2t, -2, -1)

if __name__ == "__main__":
    import jax
    _d = setup_inputs()
    print(jax.jit(kernel)(*tuple(_d.values())))

</pallas_src>

<mosaic_0001>
#map = affine_map<(d0, d1) -> (0, 0)>
#map1 = affine_map<(d0, d1) -> (0)>
module attributes {stable_mosaic.version = 14 : i64} {
  func.func @_sc_probe(%arg0: i32, %arg1: i32, %arg2: memref<4096x4096xi32, #tpu.memory_space<hbm>>, %arg3: memref<512xi32, #tpu.memory_space<hbm>>, %arg4: memref<4096xi32, #tpu.memory_space<vmem>>, %arg5: memref<4096xi32, #tpu.memory_space<vmem>>, %arg6: memref<16xi32, #tpu.memory_space<vmem>>, %arg7: memref<!tpu.dma_semaphore, #tpu.memory_space<semaphore_mem>>) attributes {dimension_semantics = [#tpu.dimension_semantics<core_parallel>, #tpu.dimension_semantics<subcore_parallel>], iteration_bounds = array<i64: 2, 16>, scalar_prefetch = 0 : i64, scratch_operands = 4 : i64, tpu.core_type = #tpu.core_type<sc_vector_subcore>, window_params = [{transform_indices = #map}, {transform_indices = #map1}]} {
    %mul3A = arith.constant 2 : i32
    %mul3A_0 = arith.muli %arg1, %mul3A : i32
    %add3A = arith.addi %mul3A_0, %arg0 : i32
    %mul3A_1 = arith.constant 128 : i32
    %mul3A_2 = arith.muli %add3A, %mul3A_1 : i32
    %iota3A = tpu.iota {dimensions = array<i32: 0>} : vector<16xi32>
    %broadcast_in_dim3A = arith.constant 1 : i32
    %broadcast_in_dim3A_3 = vector.broadcast %broadcast_in_dim3A : i32 to vector<16xi32>
    %broadcast_in_dim3A_4 = arith.constant 0 : i32
    %broadcast_in_dim3A_5 = vector.broadcast %broadcast_in_dim3A_4 : i32 to vector<16xi32>
    %scan3A = arith.constant 0 : i32
    %scan3A_6 = arith.constant 0 : i32
    %scan3A_7 = arith.constant 128 : i32
    %scan3A_8 = arith.addi %scan3A_6, %scan3A_7 : i32
    %scan3A_9 = arith.constant 1 : i32
    scf.for %scan3A_13 = %scan3A_6 to %scan3A_8 step %scan3A_9  : i32 {
      %add3A_14 = arith.addi %mul3A_2, %scan3A_13 : i32
      "tpu.region"() ({
        %run_scoped3A = tpu.sem_alloc : memref<!tpu.dma_semaphore, #tpu.memory_space<semaphore_mem>>
        %dma_start3A = arith.constant 0 : i32
        %dma_start3A_41 = tpu.memref_slice %arg2[%add3A_14, %dma_start3A] : memref<4096x4096xi32, #tpu.memory_space<hbm>> -> memref<1x4096xi32, #tpu.memory_space<hbm>>
        %dma_start3A_42 = tpu.memref_squeeze %dma_start3A_41 : memref<1x4096xi32, #tpu.memory_space<hbm>> -> memref<4096xi32, #tpu.memory_space<hbm>>
        %dma_start3A_43 = arith.constant 0 : i32
        %dma_start3A_44 = tpu.memref_slice %arg2[%add3A_14, %dma_start3A_43] : memref<4096x4096xi32, #tpu.memory_space<hbm>> -> memref<1x4096xi32, #tpu.memory_space<hbm>>
        %dma_start3A_45 = tpu.memref_squeeze %dma_start3A_44 : memref<1x4096xi32, #tpu.memory_space<hbm>> -> memref<4096xi32, #tpu.memory_space<hbm>>
        tpu.enqueue_dma source(%dma_start3A_45 : memref<4096xi32, #tpu.memory_space<hbm>>) target(%arg4 : memref<4096xi32, #tpu.memory_space<vmem>>) target_semaphore(%run_scoped3A : memref<!tpu.dma_semaphore, #tpu.memory_space<semaphore_mem>>)
        %dma_wait3A = arith.constant 0 : i32
        %dma_wait3A_46 = tpu.memref_slice %arg2[%add3A_14, %dma_wait3A] : memref<4096x4096xi32, #tpu.memory_space<hbm>> -> memref<1x4096xi32, #tpu.memory_space<hbm>>
        %dma_wait3A_47 = tpu.memref_squeeze %dma_wait3A_46 : memref<1x4096xi32, #tpu.memory_space<hbm>> -> memref<4096xi32, #tpu.memory_space<hbm>>
        %dma_wait3A_48 = arith.constant 0 : i32
        %dma_wait3A_49 = tpu.memref_slice %arg2[%add3A_14, %dma_wait3A_48] : memref<4096x4096xi32, #tpu.memory_space<hbm>> -> memref<1x4096xi32, #tpu.memory_space<hbm>>
        %dma_wait3A_50 = tpu.memref_squeeze %dma_wait3A_49 : memref<1x4096xi32, #tpu.memory_space<hbm>> -> memref<4096xi32, #tpu.memory_space<hbm>>
        tpu.wait_dma2 semaphore(%run_scoped3A : memref<!tpu.dma_semaphore, #tpu.memory_space<semaphore_mem>>) src(%dma_wait3A_50 : memref<4096xi32, #tpu.memory_space<hbm>>) dst(%arg4 : memref<4096xi32, #tpu.memory_space<vmem>>)
        tpu.yield
      }) : () -> ()
      %scan3A_15 = arith.constant 0 : i32
      %scan3A_16 = arith.constant 0 : i32
      %scan3A_17 = arith.constant 256 : i32
      %scan3A_18 = arith.addi %scan3A_16, %scan3A_17 : i32
      %scan3A_19 = arith.constant 1 : i32
      %scan3A_20 = scf.for %scan3A_41 = %scan3A_16 to %scan3A_18 step %scan3A_19 iter_args(%scan3A_42 = %scan3A_15) -> (i32)  : i32 {
        %mul3A_43 = arith.constant 16 : i32
        %mul3A_44 = arith.muli %scan3A_41, %mul3A_43 : i32
        %swap3A_45 = arith.index_cast %mul3A_44 : i32 to index
        %swap3A_46 = tpu.vector_load %arg5[%swap3A_45] {strides = array<i32>} : memref<4096xi32, #tpu.memory_space<vmem>>, vector<16xi32>,
        tpu.vector_store %arg5[%swap3A_45], %broadcast_in_dim3A_5 {strides = array<i32>} : memref<4096xi32, #tpu.memory_space<vmem>>, vector<16xi32>,
        %scan3A_47 = arith.constant 0 : i32
        scf.yield %scan3A_47 : i32
      }
      %scan3A_21 = arith.constant 256 : i32
      %scan3A_22 = arith.constant 0 : i32
      %scan3A_23 = arith.constant 0 : i32
      %scan3A_24 = arith.constant 256 : i32
      %scan3A_25 = arith.addi %scan3A_23, %scan3A_24 : i32
      %scan3A_26 = arith.constant 1 : i32
      %scan3A_27 = scf.for %scan3A_41 = %scan3A_23 to %scan3A_25 step %scan3A_26 iter_args(%scan3A_42 = %scan3A_22) -> (i32)  : i32 {
        %mul3A_43 = arith.constant 16 : i32
        %mul3A_44 = arith.muli %scan3A_41, %mul3A_43 : i32
        %get3A = arith.index_cast %mul3A_44 : i32 to index
        %get3A_45 = tpu.vector_load %arg4[%get3A] {strides = array<i32>} : memref<4096xi32, #tpu.memory_space<vmem>>, vector<16xi32>,
        %shift_right_arithmetic3A = arith.constant 23 : i32
        %shift_right_arithmetic3A_46 = vector.broadcast %shift_right_arithmetic3A : i32 to vector<16xi32>
        %shift_right_arithmetic3A_47 = arith.shrsi %get3A_45, %shift_right_arithmetic3A_46 : vector<16xi32>
        %and3A = arith.constant 255 : i32
        %and3A_48 = vector.broadcast %and3A : i32 to vector<16xi32>
        %and3A_49 = arith.andi %shift_right_arithmetic3A_47, %and3A_48 : vector<16xi32>
        %mul3A_50 = arith.constant 16 : i32
        %mul3A_51 = vector.broadcast %mul3A_50 : i32 to vector<16xi32>
        %mul3A_52 = arith.muli %and3A_49, %mul3A_51 : vector<16xi32>
        %add3A_53 = arith.addi %mul3A_52, %iota3A : vector<16xi32>
        tpu.vector_store_idx %arg5[%add3A_53], %broadcast_in_dim3A_3 {add = true} : memref<4096xi32, #tpu.memory_space<vmem>>[vector<16xi32>], vector<16xi32>,
        %scan3A_54 = arith.constant 0 : i32
        scf.yield %scan3A_54 : i32
      }
      %scan3A_28 = arith.constant 256 : i32
      %scan3A_29 = arith.constant 0 : i32
      %scan3A_30 = arith.constant 256 : i32
      %scan3A_31 = arith.addi %scan3A_29, %scan3A_30 : i32
      %scan3A_32 = arith.constant 1 : i32
      %scan3A_33 = scf.for %scan3A_41 = %scan3A_29 to %scan3A_31 step %scan3A_32 iter_args(%scan3A_42 = %broadcast_in_dim3A_5) -> (vector<16xi32>)  : i32 {
        %sub3A = arith.constant 255 : i32
        %sub3A_43 = arith.subi %sub3A, %scan3A_41 : i32
        %mul3A_44 = arith.constant 16 : i32
        %mul3A_45 = arith.muli %sub3A_43, %mul3A_44 : i32
        %get3A = arith.index_cast %mul3A_45 : i32 to index
        %get3A_46 = tpu.vector_load %arg5[%get3A] {strides = array<i32>} : memref<4096xi32, #tpu.memory_space<vmem>>, vector<16xi32>,
        %add3A_47 = arith.addi %scan3A_42, %get3A_46 : vector<16xi32>
        scf.yield %add3A_47 : vector<16xi32>
      }
      %scan3A_34 = arith.constant 256 : i32
      %reduce_sum3A = arith.constant true
      %reduce_sum3A_35 = vector.broadcast %reduce_sum3A : i1 to vector<16xi1>
      %reduce_sum3A_36 = tpu.scan <sum>, %scan3A_33 masked %reduce_sum3A_35 : vector<16xi32>, vector<16xi1> -> vector<16xi32>
      %reduce_sum3A_37 = vector.extract %reduce_sum3A_36[15] : i32 from vector<16xi32>
      %broadcast_in_dim3A_38 = vector.broadcast %reduce_sum3A_37 : i32 to vector<16xi32>
      %add3A_39 = arith.addi %broadcast_in_dim3A_38, %broadcast_in_dim3A_5 : vector<16xi32>
      %swap3A = arith.constant 0 : index
      %swap3A_40 = tpu.vector_load %arg6[%swap3A] {strides = array<i32>} : memref<16xi32, #tpu.memory_space<vmem>>, vector<16xi32>,
      tpu.vector_store %arg6[%swap3A], %add3A_39 {strides = array<i32>} : memref<16xi32, #tpu.memory_space<vmem>>, vector<16xi32>,
    }
    %scan3A_10 = arith.constant 128 : i32
    %mul3A_11 = arith.constant 16 : i32
    %mul3A_12 = arith.muli %add3A, %mul3A_11 : i32
    "tpu.region"() ({
      %run_scoped3A = tpu.sem_alloc : memref<!tpu.dma_semaphore, #tpu.memory_space<semaphore_mem>>
      %dma_start3A = tpu.memref_slice %arg3[%mul3A_12] : memref<512xi32, #tpu.memory_space<hbm>> -> memref<16xi32, #tpu.memory_space<hbm>>
      %dma_start3A_13 = tpu.memref_slice %arg3[%mul3A_12] : memref<512xi32, #tpu.memory_space<hbm>> -> memref<16xi32, #tpu.memory_space<hbm>>
      tpu.enqueue_dma source(%arg6 : memref<16xi32, #tpu.memory_space<vmem>>) target(%dma_start3A_13 : memref<16xi32, #tpu.memory_space<hbm>>) target_semaphore(%run_scoped3A : memref<!tpu.dma_semaphore, #tpu.memory_space<semaphore_mem>>)
      %dma_wait3A = tpu.memref_slice %arg3[%mul3A_12] : memref<512xi32, #tpu.memory_space<hbm>> -> memref<16xi32, #tpu.memory_space<hbm>>
      %dma_wait3A_14 = tpu.memref_slice %arg3[%mul3A_12] : memref<512xi32, #tpu.memory_space<hbm>> -> memref<16xi32, #tpu.memory_space<hbm>>
      tpu.wait_dma2 semaphore(%run_scoped3A : memref<!tpu.dma_semaphore, #tpu.memory_space<semaphore_mem>>) src(%arg6 : memref<16xi32, #tpu.memory_space<vmem>>) dst(%dma_wait3A_14 : memref<16xi32, #tpu.memory_space<hbm>>)
      tpu.yield
    }) : () -> ()
    return
  }
}

</mosaic_0001>

<sc_bundles>
// kernel: kernel.3.cloned.1.call-start
scs
__scs_entry_jumppad:
0x0: {  	(pc) =	sbr.rel $0x88, $3  }
0x1: {  	(tag) =	ssettag $0x0;
	lr =	simm.s32 $0x1  }
0x2: {  	[smem:$0x3FA0] =	sst lr;
	_ =	strace $0xD0000000  }
0x3: {  	_ = 	snop  }
0x4: {  	_ = 	snop  }
0x5: {  	_ = 	snop  }
0x6: {  	_ = 	snop  }
0x7: {  	_ = 	snop  }
__scs_overlays_trampoline_lowered:
0x8: {  	[smem:$0x3FAF] =	sst s0  }
0x9: {  	[smem:$0x3FB0] =	sst s1  }
0xa: {  	[smem:$0x3FB1] =	sst s2  }
0xb: {  	[smem:$0x3FB2] =	sst s3  }
0xc: {  	[smem:$0x3FB3] =	sst s4  }
0xd: {  	[smem:$0x3FB4] =	sst s5  }
0xe: {  	[smem:$0x3FB5] =	sst s6  }
0xf: {  	[smem:$0x3FB6] =	sst s7  }
0x10: {  	[smem:$0x3FB7] =	sst s8  }
0x11: {  	[smem:$0x3FB8] =	sst s9;
	s0 =	simm.s32 @!p0 $0x0  }
0x12: {  	s1 =	sld [smem:$0x3F9E];
	s0 =	simm.s32 @p0 $0x1  }
0x13: {  	[smem:$0x3FB9] =	sst s0;
	s0 =	simm.s32 @!p1 $0x0  }
0x14: {  	s2 =	sld [smem:$0x3F9D];
	s0 =	simm.s32 @p1 $0x1  }
0x15: {  	[smem:$0x3FBA] =	sst s0;
	s0 =	simm.s32 @!p2 $0x0  }
0x16: {  	s3 =	sld [smem:$0x3FDB];
	s0 =	simm.s32 @p2 $0x1  }
0x17: {  	s4 =	simm.s32 $0x1BF5;
	[smem:$0x3FBC] =	sst s0  }
0x18: {  	s0 =	sld [smem:$0x3F9F];
	_ =	swait.ge [sflag:s4], $0x0  }
0x19: {  	s7 =	sld [smem:$0x3FA0]  }
0x1a: {  	s8 =	sadd.s32 $0xFFFFE003, lr  }
0x1b: {  	s9 =	sadd.s32 $0xFFFFFEF7, lr;
	s5 =	simm.s32 $0xFFFFFFFF;
	p2 =	slt.u32 s8, $0xFFFFF086  }
0x1c: {  	p1 =	slt.u32 s9, $0xF7A;
	s5 =	simm.s32 @!p2 $0x0  }
0x1d: {  	s5 =	simm.s32 @p1 $0x1;
	p0 =	seq.s32 s7, s2  }
0x1e: {  	s7 =	smul.u32 @!p0 $0xF7A, s2;
	p2 =	seq.s32 @!p0 s5, $0x0  }
0x1f: {  	s9 =	smul.u32 $0xF7A, s1;
	s8 =	simm.s32 @!p0 $0x1BF5;
	p2 =	por !p2, p0  }
0x20: {  	[sflag:s8] =	ssyncset.s32 @!p0 $0xFFFFF086;
	s6 =	sadd.s32 @!p0 s3, s7;
	s7 =	simm.s32 @!p0 $0x108  }
0x21: {  	s3 =	sadd.s32 s3, s9;
	s6 =	sadd.s32 @!p0 $0x88, s6;
	s7 =	simm.s32 @p2 $0x1082  }
0x22: {  	[simem:s7], [sflag:s8] =	dma.local @!p0 [hbm:s6], $0xF7A  }
0x23: {  	s9 =	sor.u32 $0xD0000000, s2;
	s6 =	simm.s32 $0x108;
	_ =	swait.ge @!p0 [sflag:s8], $0x0  }
0x24: {  	s3 =	sadd.s32 $0x88, s3;
	s6 =	simm.s32 @!p1 $0x1082;
	[sflag:s4] =	ssyncset.s32 $0xFFFFF086  }
0x25: {  	[simem:s6], [sflag:s4] =	dma.local [hbm:s3], $0xF7A  }
0x26: {  	[smem:$0x3FA0] =	sst s1;
	(tag) =	ssettag s2;
	_ =	strace s9  }
0x27: {  	s1 =	sld [smem:$0x3FB0]  }
0x28: {  	s2 =	sld [smem:$0x3FB1]  }
0x29: {  	s4 =	sld [smem:$0x3FB3]  }
0x2a: {  	p0 =	seq.s32 s5, $0x0;
	s5 =	sld [smem:$0x3FB4]  }
0x2b: {  	s6 =	sld [smem:$0x3FB5]  }
0x2c: {  	s7 =	sld [smem:$0x3FB6]  }
0x2d: {  	s3 =	simm.s32 $0x108;
	s8 =	sld [smem:$0x3FB7]  }
0x2e: {  	s3 =	simm.s32 @!p0 $0x1082;
	s9 =	sld [smem:$0x3FB8]  }
0x2f: {  	lr =	sadd.s32 s0, s3;
	s0 =	sld [smem:$0x3FAF]  }
0x30: {  	s3 =	sld [smem:$0x3FB2]  }
0x31: {  	[smem:$0x3FBB] =	sst s10  }
0x32: {  	s10 =	sld [smem:$0x3FB9];
	_ =	sdelay $0x3  }
0x33: {  	p0 =	seq.s32 s10, $0x1;
	s10 =	sld [smem:$0x3FBB];
	_ =	sdelay $0x3  }
0x34: {  	[smem:$0x3FBB] =	sst s10  }
0x35: {  	s10 =	sld [smem:$0x3FBA];
	_ =	sdelay $0x3  }
0x36: {  	p1 =	seq.s32 s10, $0x1;
	s10 =	sld [smem:$0x3FBB];
	_ =	sdelay $0x3  }
0x37: {  	[smem:$0x3FBB] =	sst s10  }
0x38: {  	s10 =	sld [smem:$0x3FBC]  }
0x39: {  	_ = 	snop;
	(pc) =	sbr.ind lr, $3  }
0x3a: {  	_ = 	snop  }
0x3b: {  	_ = 	snop  }
0x3c: {  	p2 =	seq.s32 s10, $0x1;
	s10 =	sld [smem:$0x3FBB]  }
0x3d: {  	_ =	shalt  }
0x3e: {  	_ =	shalt  }
0x3f: {  	_ =	shalt  }
0x40: {  	_ =	shalt  }
0x41: {  	_ =	shalt  }
0x42: {  	_ =	shalt  }
0x43: {  	_ =	shalt  }
0x44: {  	_ =	shalt  }
0x45: {  	_ =	shalt  }
0x46: {  	_ =	shalt  }
0x47: {  	_ =	shalt  }
0x48: {  	_ =	shalt  }
0x49: {  	_ =	shalt  }
0x4a: {  	_ =	shalt  }
0x4b: {  	_ =	shalt  }
0x4c: {  	_ =	shalt  }
0x4d: {  	_ =	shalt  }
0x4e: {  	_ =	shalt  }
0x4f: {  	_ =	shalt  }
0x50: {  	_ =	shalt  }
0x51: {  	_ =	shalt  }
0x52: {  	_ =	shalt  }
0x53: {  	_ =	shalt  }
0x54: {  	_ =	shalt  }
0x55: {  	_ =	shalt  }
0x56: {  	_ =	shalt  }
0x57: {  	_ =	shalt  }
0x58: {  	_ =	shalt  }
0x59: {  	_ =	shalt  }
0x5a: {  	_ =	shalt  }
0x5b: {  	_ =	shalt  }
0x5c: {  	_ =	shalt  }
0x5d: {  	_ =	shalt  }
0x5e: {  	_ =	shalt  }
0x5f: {  	_ =	shalt  }
0x60: {  	_ =	shalt  }
0x61: {  	_ =	shalt  }
0x62: {  	_ =	shalt  }
0x63: {  	_ =	shalt  }
0x64: {  	_ =	shalt  }
0x65: {  	_ =	shalt  }
0x66: {  	_ =	shalt  }
0x67: {  	_ =	shalt  }
0x68: {  	_ =	shalt  }
0x69: {  	_ =	shalt  }
0x6a: {  	_ =	shalt  }
0x6b: {  	_ =	shalt  }
0x6c: {  	_ =	shalt  }
0x6d: {  	_ =	shalt  }
0x6e: {  	_ =	shalt  }
0x6f: {  	_ =	shalt  }
0x70: {  	_ =	shalt  }
0x71: {  	_ =	shalt  }
0x72: {  	_ =	shalt  }
0x73: {  	_ =	shalt  }
0x74: {  	_ =	shalt  }
0x75: {  	_ =	shalt  }
0x76: {  	_ =	shalt  }
0x77: {  	_ =	shalt  }
0x78: {  	_ =	shalt  }
0x79: {  	_ =	shalt  }
0x7a: {  	_ =	shalt  }
0x7b: {  	_ =	shalt  }
0x7c: {  	_ =	shalt  }
0x7d: {  	_ =	shalt  }
0x7e: {  	_ =	shalt  }
0x7f: {  	_ =	shalt  }
0x80: {  	_ =	shalt  }
0x81: {  	_ =	shalt  }
0x82: {  	_ =	shalt  }
0x83: {  	_ =	shalt  }
0x84: {  	_ =	shalt  }
0x85: {  	_ =	shalt  }
0x86: {  	_ =	shalt  }
0x87: {  	_ =	shalt  }
.Lfunc_end0:
.L_simem_size_0:
called_computation.1_lowered:
.L_overlay_start_0:
0x88: {  	s2 =	sld [smem:$0x3FD9]  }
0x89: {  	s3 =	sld [smem:$0x3FFE];
	_ =	sdelay $0x1  }
0x8a: {  	s1 =	srdreg.scid  }
0x8b: {  	s0 =	sand.u32 $0x1, s1  }
0x8c: {  	s17 =	sshll.u32 s0, $0xA;
	s2 =	sadd.s32 s3, s2  }
0x8d: {  	s2 =	sadd.s32 s2, s17  }
0x8e: {  	[smem:$0x3FC7] =	sst s2  }
0x8f: {  	_ = 	snop  }
0x90: {  	s2 =	sld [smem:$0x3FD0];
	(tm) =	ssettm $0x1  }
0x91: {  	s18 =	sld [smem:$0x3FFB];
	_ =	sdelay $0x3  }
0x92: {  	_ =	strace s18  }
0x93: {  	s3 =	sld [smem:$0x3FFC];
	_ =	sdelay $0x3  }
0x94: {  	_ =	strace s3  }
0x95: {  	s3 =	sld [smem:$0x3FFD];
	_ =	sdelay $0x3  }
0x96: {  	_ =	strace s3  }
0x97: {  	_ =	strace $0x8FFFFFFF  }
0x98: {  	s19 =	sld [smem:$0x3FDB];
	_ =	sdelay $0x1  }
0x99: {  	s4 =	simm.s32 $_scs_section_size  }
0x9a: {  	s5 =	simm.s32 $_size__tile_overlayer_lowered;
	s6 =	simm.s32 $_tile_overlayer_lowered  }
0x9b: {  	s22 =	simm.s32 $0x1BFF;
	s21 =	sshll.u32 s6, $0x1;
	s3 =	sadd.s32 s4, s19  }
0x9c: {  	s7 =	simm.s32 $0x0;
	s20 =	sshll.u32 s5, $0x1;
	s5 =	sadd.s32 s21, s3  }
0x9d: {  	[timem:s7], [sflag:s22] =	dma.local [hbm:s5], s20  }
0x9e: {  	_ =	swait.ge [sflag:s22], s20  }
0x9f: {  	s4 =	ssub.s32 $0x0, s20;
	[sflag:s22] =	ssyncset.done $0x0  }
0xa0: {  	[sflag:s22] =	ssyncadd.s32 s4;
	_ =	sdelay $0x1  }
0xa1: {  	s23 =	simm.s32 $0x1B8B  }
0xa2: {  	_ =	swait.ge [sflag:s23], $0x1  }
0xa3: {  	[sflag:s23] =	ssyncset.done $0x0  }
0xa4: {  	s25 =	simm.s32 $0x1B8E;
	s24 =	sld [smem:$0x3FFE];
	[sflag:s23] =	ssyncadd.s32 $0xFFFFFFFF  }
0xa5: {  	s26 =	simm.s32 $execute0_lowered;
	[smem:$0x3FD2] =	sst s25  }
0xa6: {  	s5 =	sshll.u32 s26, $0x1;
	_ =	strace $0x80000049;
	[dreg:$0x1] =	wrdreg $0xFFFFFFFF  }
0xa7: {  	s28 =	simm.s32 $_size_execute0_lowered;
	s3 =	sadd.s32 s3, s5;
	[dreg:$0x0] =	wrdreg $0x0  }
0xa8: {  	s5 =	sshll.u32 s28, $0x1;
	[dreg:$0x2] =	wrdreg s3  }
0xa9: {  	[dreg:$0x3] =	wrdreg s5  }
0xaa: {  	[dreg:$0x4] =	wrdreg $0xC0  }
0xab: {  	_ =	task [dreg:s7], $0x5FFFF  }
0xac: {  	[dreg:$0x1] =	wrdreg $0xFFFFFFFF  }
0xad: {  	[dreg:$0x0] =	wrdreg $0x60  }
0xae: {  	[dreg:$0x2] =	wrdreg s24  }
0xaf: {  	[dreg:$0x3] =	wrdreg s2  }
0xb0: {  	[dreg:$0x4] =	wrdreg $0x9  }
0xb1: {  	_ =	task.clear_ibuf [dreg:s7], $0x5FFFF;
	_ =	strace $0x90000049  }
0xb2: {  	s29 =	simm.s32 $0x9;
	_ =	strace $0x8000004B  }
0xb3: {  	_ =	swait.ge [sflag:s29], $0x1  }
0xb4: {  	[sflag:s29] =	ssyncadd.s32 $0xFFFFFFFF  }
0xb5: {  	_ =	strace $0x9000004B  }
0xb6: {  	_ =	sfence  }
0xb7: {  	s30 =	sld [smem:$0x0];
	_ =	sdelay $0x2  }
0xb8: {  	s31 =	sshll.u32 s1, $0xD;
	s1 =	sshrl.u32 s1, $0x2  }
0xb9: {  	s3 =	sand.u32 $0x4000, s31;
	s1 =	sadd.s32 s1, s30  }
0xba: {  	s0 =	sor.u32 s3, s0;
	s1 =	sshll.u32 s1, $0x11  }
0xbb: {  	s0 =	sor.u32 s1, s0  }
0xbc: {  	s0 =	sadd.s32 $0x8F2B, s0  }
0xbd: {  	[sflag:s0] =	ssyncadd.remote.s32 $0x1  }
0xbe: {  	_ =	sfence.sel $0xFFFF  }
0xbf: {  	[dreg:$0x0] =	wrdreg $0xFFFFFFFF;
	(pc) =	sbr.abs _section_cstart, $3  }
0xc0: {  	[dreg:$0x1] =	wrdreg $0xFFFFFFFF  }
0xc1: {  	_ =	task.clear_ibuf [dreg:s7], $0x2FFFF;
	_ =	strace $0x9FFFFFFF  }
0xc2: {  	(tm) =	ssettm $0x7FFFFFFF  }
0xc3: {  	_ =	shalt  }
tec
execute0_lowered:
.L_overlay_start_1:
0x0: {  	(tag) =	ssettag $0x1  }
0x1: {  	s3 =	rddreg [dreg:$0x0]  }
0x2: {  	s4 =	rddreg [dreg:$0x1]  }
0x3: {  	s0 =	rddreg [dreg:$0x2]  }
0x4: {  	s5 =	srdreg.scid;
	s1 =	stileid.u32  }
0x5: {  	s2 =	simm.s32 $0x0;
	s9 =	simm.s32 $0x1000;
	s10 =	simm.s32 $0x2000  }
0x6: {  	s11 =	simm.s32 $0x0;
	s5 =	sand.u32 $0x1, s5;
	s6 =	sshll.u32 s1, $0x1  }
0x7: {  	[smem:$0x7FF] =	sst s2;
	s6 =	sor.u32 s5, s6;
	s5 =	ssub.s32 $0x2, s5  }
0x8: {  	_ =	strace $0x8000004A;
	s7 =	sshll.u32 s6, $0x10;
	s8 =	sshrl.u32 s5, $0x1  }
0x9: {  	s6 =	sshll.u32 s6, $0x1;
	s3 =	sadd.s32 s7, s3;
	s5 =	ssub.s32 s5, s8  }
0xa: {  	s4 =	sadd.s32 s4, s6;
	s6 =	simm.s32 $0x80;
	s7 =	simm.s32 $0x400  }
0xb: {  	v0 =	vimm.s32 $0x0;
	v1 =	vlaneseq.u32;
	v2 =	vimm.s32 $0x1;
	s8 =	simm.s32 $0x1;
	s3 =	sadd.s32 $0x800, s3;
	s5 =	smax.u32 s5, $0x1  }
.LBB2_1:
0xc: {  	s12 =	simm.s32 $0x0  }
.LBB2_2:
0xd: {  	s13 =	sshll.u32 s12, $0x9  }
0xe: {  	s14 =	sshll.u32 s12, $0x4;
	s13 =	sand.u32 $0xF000, s13  }
0xf: {  	s14 =	sand.u32 $0x70, s14;
	s13 =	sadd.s32 s13, s3  }
0x10: {  	s14 =	sadd.s32 s14, s13;
	s13 =	simm.s32 $0x0  }
0x11: {  	[tilespmem:s13], [sflag:$0x1] =	stream.strided.gather [hbm4b:s14+s6], $0x1000, s7, s6, $0x38;
	[tilespmem:$0x2080] =	vst v63  }
0x12: {  	_ =	swait.ge [sflag:s8], $0x1000  }
0x13: {  	[sflag:s8] =	ssyncset.done $0x0  }
0x14: {  	s15 =	simm.s32 $0x0;
	s14 =	simm.s32 $0x40;
	[sflag:s8] =	ssyncadd.s32 $0xFFFFF000  }
.LBB2_3:
0x15: {  	p0 =	sne.s32 s14, $0x3FC0;
	[tilespmem:s15+$0x1000] =	vst v0;
	s15 =	smov.u32 s14;
	s14 =	sadd.s32 $0x40, s14  }
.Ltmp0:
0x16: {  	(pc) =	sbr.rel @p0 .LBB2_3-.Ltmp0, $2  }
0x17: {  	_ =	sdelay $0x2  }
0x18: {  	s15 =	sshra.s32 s15, $0x2  }
0x19: {  	[tilespmem:s15+$0x1000] =	vst v0  }
.LBB2_5:
0x1a: {  	s14 =	sshra.s32 s13, $0x2  }
0x1b: {  	v3 =	vld [tilespmem:s14+$0x0];
	_ =	sdelay $0x4  }
0x1c: {  	v3 =	vshrl.u32 v3, $0x13  }
0x1d: {  	v3 =	vand.u32 $0xFF0, v3  }
0x1e: {  	p0 =	sne.s32 s13, $0x3FC0;
	v3 =	vor.u32 v1, v3  }
.Ltmp1:
0x1f: {  	_ = 	snop;
	(pc) =	sbr.rel @p0 .LBB2_5-.Ltmp1, $2  }
0x20: {  	_ =	sdelay $0x2  }
0x21: {  	s13 =	sadd.s32 $0x40, s13;
	[tilespmem:v3+s9+$0x0] =	vst.idx.add.s32.msk $0xffff, v2  }
0x22: {  	s14 =	simm.s32 $0xFF0  }
0x23: {  	v3 =	vimm.s32 $0x0;
	s13 =	simm.s32 $0x3F80;
	v4 =	vld [tilespmem:s14+$0x1000]  }
.LBB2_7:
0x24: {  	p0 =	sne.s32 s13, $0x0  }
.Ltmp2:
0x25: {  	_ = 	snop;
	(pc) =	sbr.rel @p0 .LBB2_7-.Ltmp2, $3  }
0x26: {  	_ =	sdelay $0x1  }
0x27: {  	s14 =	sshra.s32 s13, $0x2;
	s13 =	sadd.s32 $0xFFFFFFC0, s13;
	v3 =	vadd.s32 v3, v4  }
0x28: {  	v4 =	vld [tilespmem:s14+$0x1000]  }
0x29: {  	_ =	sdelay $0x3  }
0x2a: {  	v3 =	vadd.s32 v3, v4  }
0x2b: {  	(xrf0) =	vadd.scan.msk.s32 $0xffff, v3;
	_ =	sdelay $0x2  }
0x2c: {  	s12 =	sadd.s32 $0x1, s12  }
0x2d: {  	p0 =	sne.s32 s12, $0x80  }
.Ltmp3:
0x2e: {  	_ = 	snop;
	(pc) =	sbr.rel @p0 .LBB2_2-.Ltmp3, $3  }
0x2f: {  	v3, _, _ =	vpop (xrf0)  }
0x30: {  	v3 =	vbroadcast v3, $0xF;
	_ =	sdelay $0x1  }
0x31: {  	[tilespmem:$0x2000] =	vst v3  }
0x32: {  	s11 =	sadd.s32 $0x1, s11  }
0x33: {  	p0 =	sne.s32 s11, s5  }
.Ltmp4:
0x34: {  	_ = 	snop;
	(pc) =	sbr.rel @p0 .LBB2_1-.Ltmp4, $4  }
0x35: {  	[hbm4b:s4+s2] =	stream.linear.scatter [tilespmem:s10], [sflag:$0x1], $0x10, $0x38;
	[tilespmem:$0x2080] =	vst v63  }
0x36: {  	_ =	swait.ge [sflag:s8], $0x10  }
0x37: {  	[sflag:s8] =	ssyncset.done $0x0  }
0x38: {  	[sflag:s8] =	ssyncadd.s32 $0xFFFFFFF0  }
0x39: {  	_ =	sfence.sel $0x180000  }
0x3a: {  	[bflag:$0x0] =	sbarrier.arrive $0xFFFF  }
0x3b: {  	p0 =	sne.s32 s1, $0x0;
	_ =	strace $0x9000004A  }
0x3c: {  	s0 =	sadd.s32 @!p0 $0x100000, s0;
	[bflag:$0x2] =	sbarrier.arrive $0xFFFF  }
0x3d: {  	[sflag:s0] =	ssyncadd.tile.s32 @!p0 $0x1;
	_ =	shalt  }
.Lfunc_end2:
_tile_overlayer_lowered:
.L_overlay_start_2:
0x3e: {  	(tag) =	ssettag $0x2  }
0x3f: {  	s0 =	rddreg [dreg:$0x0];
	s2 =	stileid.u32  }
0x40: {  	s1 =	rddreg [dreg:$0x1];
	p0 =	sne.s32 s2, $0x0  }
0x41: {  	s3 =	rddreg [dreg:$0x2];
	[bflag:$0x3] =	sbarrier.arrive $0xFFFF;
	s2 =	simm.s32 @!p0 $0x1C01  }
0x42: {  	[timem:s3], [sflag:s2] =	dma.local @!p0 [hbm:s0], s1  }
0x43: {  	s0 =	simm.s32 @!p0 $0x1  }
0x44: {  	_ =	swait.ge @!p0 [sflag:s0], s1  }
0x45: {  	s1 =	ssub.s32 @!p0 $0x0, s1;
	[sflag:s0] =	ssyncset.done @!p0 $0x0  }
0x46: {  	[sflag:s0] =	ssyncadd.s32 @!p0 s1  }
0x47: {  	[bflag:$0x3] =	sbarrier.arrive $0xFFFF  }
0x48: {  	_ =	shalt  }

// kernel: sparse-core-data-format-call.cloned.1.call-start
scs
called_computation_lowered:
.L_overlay_start_0:
0x0: {  	s2 =	sld [smem:$0x3FD9]  }
0x1: {  	s3 =	sld [smem:$0x3FFE];
	_ =	sdelay $0x1  }
0x2: {  	s1 =	srdreg.scid  }
0x3: {  	s0 =	sand.u32 $0x1, s1  }
0x4: {  	s18 =	sshll.u32 s0, $0xA;
	s2 =	sadd.s32 s3, s2  }
0x5: {  	s2 =	sadd.s32 s2, s18  }
0x6: {  	[smem:$0x3FC7] =	sst s2  }
0x7: {  	_ = 	snop  }
0x8: {  	s2 =	sld [smem:$0x3FD0];
	(tm) =	ssettm $0x1  }
0x9: {  	s19 =	sld [smem:$0x3FFB];
	_ =	sdelay $0x3  }
0xa: {  	_ =	strace s19  }
0xb: {  	s3 =	sld [smem:$0x3FFC];
	_ =	sdelay $0x3  }
0xc: {  	_ =	strace s3  }
0xd: {  	s3 =	sld [smem:$0x3FFD];
	_ =	sdelay $0x3  }
0xe: {  	_ =	strace s3  }
0xf: {  	_ =	strace $0x8FFFFFFF  }
0x10: {  	s20 =	sld [smem:$0x3FDB];
	_ =	sdelay $0x1  }
0x11: {  	s4 =	simm.s32 $_scs_section_size  }
0x12: {  	s5 =	simm.s32 $_size__tile_overlayer_lowered;
	s6 =	simm.s32 $_tile_overlayer_lowered  }
0x13: {  	s23 =	simm.s32 $0x1BFF;
	s22 =	sshll.u32 s6, $0x1;
	s3 =	sadd.s32 s4, s20  }
0x14: {  	s7 =	simm.s32 $0x0;
	s21 =	sshll.u32 s5, $0x1;
	s5 =	sadd.s32 s22, s3  }
0x15: {  	[timem:s7], [sflag:s23] =	dma.local [hbm:s5], s21  }
0x16: {  	_ =	swait.ge [sflag:s23], s21  }
0x17: {  	s4 =	ssub.s32 $0x0, s21;
	[sflag:s23] =	ssyncset.done $0x0  }
0x18: {  	[sflag:s23] =	ssyncadd.s32 s4;
	_ =	sdelay $0x1  }
0x19: {  	s24 =	simm.s32 $0x1B8B  }
0x1a: {  	_ =	swait.ge [sflag:s24], $0x1  }
0x1b: {  	[sflag:s24] =	ssyncset.done $0x0  }
0x1c: {  	s26 =	simm.s32 $0x1B8E;
	s25 =	sld [smem:$0x3FFE];
	[sflag:s24] =	ssyncadd.s32 $0xFFFFFFFF  }
0x1d: {  	s27 =	simm.s32 $execute0_lowered;
	[smem:$0x3FD2] =	sst s26  }
0x1e: {  	s5 =	sshll.u32 s27, $0x1;
	_ =	strace $0x80000046;
	[dreg:$0x1] =	wrdreg $0xFFFFFFFF  }
0x1f: {  	s28 =	simm.s32 $_size_execute0_lowered;
	s3 =	sadd.s32 s3, s5;
	[dreg:$0x0] =	wrdreg $0x0  }
0x20: {  	s5 =	sshll.u32 s28, $0x1;
	[dreg:$0x2] =	wrdreg s3  }
0x21: {  	[dreg:$0x3] =	wrdreg s5  }
0x22: {  	[dreg:$0x4] =	wrdreg $0xC0  }
0x23: {  	_ =	task [dreg:s7], $0x5FFFF  }
0x24: {  	[dreg:$0x1] =	wrdreg $0xFFFFFFFF  }
0x25: {  	[dreg:$0x0] =	wrdreg $0x60  }
0x26: {  	[dreg:$0x2] =	wrdreg s2  }
0x27: {  	[dreg:$0x3] =	wrdreg s25  }
0x28: {  	[dreg:$0x4] =	wrdreg $0x9  }
0x29: {  	_ =	task.clear_ibuf [dreg:s7], $0x5FFFF;
	_ =	strace $0x90000046  }
0x2a: {  	s29 =	simm.s32 $0x9;
	_ =	strace $0x80000048  }
0x2b: {  	_ =	swait.ge [sflag:s29], $0x1  }
0x2c: {  	[sflag:s29] =	ssyncadd.s32 $0xFFFFFFFF  }
0x2d: {  	_ =	strace $0x90000048  }
0x2e: {  	_ =	sfence  }
0x2f: {  	s30 =	sld [smem:$0x0];
	_ =	sdelay $0x2  }
0x30: {  	s31 =	sshll.u32 s1, $0xD;
	s1 =	sshrl.u32 s1, $0x2  }
0x31: {  	s3 =	sand.u32 $0x4000, s31;
	s1 =	sadd.s32 s1, s30  }
0x32: {  	s0 =	sor.u32 s3, s0;
	s1 =	sshll.u32 s1, $0x11  }
0x33: {  	s0 =	sor.u32 s1, s0  }
0x34: {  	s0 =	sadd.s32 $0x8F2B, s0  }
0x35: {  	[sflag:s0] =	ssyncadd.remote.s32 $0x1  }
0x36: {  	_ =	sfence.sel $0xFFFF  }
0x37: {  	[dreg:$0x0] =	wrdreg $0xFFFFFFFF;
	(pc) =	sbr.abs _section_cstart, $3  }
0x38: {  	[dreg:$0x1] =	wrdreg $0xFFFFFFFF  }
0x39: {  	_ =	task.clear_ibuf [dreg:s7], $0x2FFFF;
	_ =	strace $0x9FFFFFFF  }
0x3a: {  	(tm) =	ssettm $0x7FFFFFFF  }
0x3b: {  	_ =	shalt  }
tec
execute0_lowered:
.L_overlay_start_1:
0x0: {  	(tag) =	ssettag $0x1  }
0x1: {  	s2 =	rddreg [dreg:$0x0]  }
0x2: {  	s4 =	rddreg [dreg:$0x1]  }
0x3: {  	s0 =	rddreg [dreg:$0x2];
	_ =	strace $0x80000047  }
0x4: {  	s3 =	srdreg.scid;
	s1 =	stileid.u32;
	s6 =	simm.s32 $0x2  }
.Ltmp0:
0x5: {  	s10 =	simm.s32 $0x0;
	p0 =	por $0x0, $0x0;
	(pc) =	sbr.rel .LBB1_1-.Ltmp0, $4  }
0x6: {  	s11 =	simm.s32 $0x0;
	s8 =	simm.s32 $0x0;
	s5 =	sshll.u32 s3, $0x4  }
0x7: {  	s7 =	simm.s32 $0x0;
	s3 =	simm.s32 $0x1;
	s5 =	sand.u32 $0x10, s5  }
0x8: {  	s4 =	sadd.s32 $0x800, s4;
	[sflag:s3] =	ssyncpa.u1 $0x0;
	s5 =	sor.u32 s1, s5  }
0x9: {  	[sflag:s6] =	ssyncpa.u1 $0x0;
	s6 =	simm.s32 $0x8000;
	s9 =	smov.u32 s5  }
.LBB1_5:
0xa: {  	s12 =	sadd.s32 $0x80, s8  }
0xb: {  	s10 =	sadd.s32 $0x20, s9;
	s14 =	smov.u32 s9;
	p2 =	sgt.s32 s12, $0xFFF  }
0xc: {  	p1 =	slt.u32 s7, $0x2;
	s14 =	smov.u32 @p2 s10  }
0xd: {  	s7 =	sadd.s32 $0x1, s7;
	s12 =	simm.s32 @p2 $0x0;
	p2 =	sgt.s32 s14, $0x1F  }
0xe: {  	s14 =	smov.u32 @p2 s5;
	p2 =	sne.s32 s7, $0x22  }
.Ltmp1:
0xf: {  	_ = 	snop;
	(pc) =	sbr.rel @!p2 .LBB1_6-.Ltmp1, $4  }
0x10: {  	s13 =	simm.s32 @!p1 $0x2  }
0x11: {  	s11 =	smov.u32 s9;
	_ =	swait.ge @!p1 [sflag:s13], $0x4000  }
0x12: {  	p0 =	por !p0, !p0;
	s10 =	smov.u32 s8;
	[sflag:s13] =	ssyncset.done @!p1 $0x0  }
0x13: {  	s8 =	smov.u32 s12;
	[sflag:s13] =	ssyncadd.s32 @!p1 $0xFFFFC000;
	s9 =	smov.u32 s14  }
.LBB1_1:
0x14: {  	p1 =	sgt.u32 s7, $0x1F  }
0x15: {  	s12 =	sxor.u32 @!p1 $0xFFFFFFFF, s7;
	s13 =	sshll.u32 @!p1 s9, $0x10;
	s14 =	sshll.u32 @!p1 s8, $0x4  }
0x16: {  	s12 =	sshll.u32 @!p1 s12, $0xE;
	s14 =	sand.u32 @!p1 $0xFFF0, s14;
	s13 =	sadd.s32 @!p1 s2, s13  }
0x17: {  	s12 =	sand.u32 @!p1 $0x4000, s12;
	s13 =	sadd.s32 @!p1 s14, s13;
	s14 =	simm.s32 @!p1 $0x0  }
0x18: {  	[tilespmem:s12], [sflag:$0x1] =	stream.linear.gather @!p1 [hbm4b:s13+s14], $0x4000, $0x38;
	[tilespmem:$0x10100] =	vst v63  }
0x19: {  	p1 =	seq.s32 s7, $0x0  }
0x1a: {  	p2 =	seq.s32 @!p1 s7, $0x21  }
0x1b: {  	p1 =	por p1, p2  }
.Ltmp2:
0x1c: {  	_ = 	snop;
	(pc) =	sbr.rel @p1 .LBB1_5-.Ltmp2, $1  }
0x1d: {  	_ =	sdelay $0x3  }
0x1e: {  	s12 =	simm.s32 $0x1  }
0x1f: {  	_ =	swait.ge [sflag:s3], $0x4000;
	s12 =	simm.s32 @!p0 $0x0  }
0x20: {  	[sflag:s3] =	ssyncset.done $0x0;
	s13 =	sshll.u32 s12, $0xE  }
0x21: {  	[sflag:s3] =	ssyncadd.s32 $0xFFFFC000;
	s15 =	sor.u32 $0x40, s13  }
0x22: {  	s12 =	smul.u32 $0x10200, s12;
	v0 =	vld [tilespmem:s15+$0x30]  }
0x23: {  	v3 =	vld [tilespmem:s15+$0xFFFFFFD0]  }
0x24: {  	s12 =	sshrl.u32 s12, $0x2;
	v4 =	vld [tilespmem:s15+$0xFFFFFFE0]  }
0x25: {  	v5 =	vld [tilespmem:s15+$0xFFFFFFF0];
	s13 =	sor.u32 $0x8000, s12  }
0x26: {  	s31 =	sand.u32 $0x1, s7;
	v1 =	vld [tilespmem:s15+$0x0];
	s14 =	sadd.s32 $0x0, s13  }
0x27: {  	v2 =	vld [tilespmem:s15+$0x10];
	s12 =	smul.u32 $0x10200, s31;
	[tilespmem:s14+$0x3870 ss:$0x81] =	vst.msk $0xffff, v0  }
0x28: {  	[tilespmem:s14+$0x810 ss:$0x81] =	vst.msk $0xffff, v3;
	v3 =	vld [tilespmem:s15+$0x20]  }
0x29: {  	s12 =	sshrl.u32 s12, $0x2;
	v0 =	vld [tilespmem:s15+$0xFFFFFFC0];
	[tilespmem:s14+$0x1020 ss:$0x81] =	vst.msk $0xffff, v4;
	s15 =	sadd.s32 $0x80, s15  }
0x2a: {  	s16 =	simm.s32 $0x4;
	s17 =	simm.s32 $0x8;
	s12 =	sor.u32 $0x8000, s12;
	[tilespmem:s14+$0x1830 ss:$0x81] =	vst.msk $0xffff, v5;
	v4 =	vld [tilespmem:s15+$0x30]  }
.LBB1_3:
0x2b: {  	p1 =	sne.s32 s17, $0x1FC;
	v5 =	vld [tilespmem:s15+$0xFFFFFFD0];
	[tilespmem:s14+$0x2040 ss:$0x81] =	vst.msk $0xffff, v1  }
0x2c: {  	v6 =	vld [tilespmem:s15+$0xFFFFFFE0];
	[tilespmem:s14+$0x2850 ss:$0x81] =	vst.msk $0xffff, v2  }
0x2d: {  	s18 =	sshra.s32 s16, $0x2;
	s16 =	smov.u32 s17;
	v7 =	vld [tilespmem:s15+$0xFFFFFFF0];
	[tilespmem:s14+$0x3060 ss:$0x81] =	vst.msk $0xffff, v3  }
.Ltmp3:
0x2e: {  	v1 =	vld [tilespmem:s15+$0x0];
	[tilespmem:s14+$0x0 ss:$0x81] =	vst.msk $0xffff, v0;
	s14 =	sadd.s32 s18, s13;
	(pc) =	sbr.rel @p1 .LBB1_3-.Ltmp3, $4  }
0x2f: {  	v2 =	vld [tilespmem:s15+$0x10];
	[tilespmem:s14+$0x3870 ss:$0x81] =	vst.msk $0xffff, v4  }
0x30: {  	[tilespmem:s14+$0x810 ss:$0x81] =	vst.msk $0xffff, v5;
	v3 =	vld [tilespmem:s15+$0x20]  }
0x31: {  	v0 =	vld [tilespmem:s15+$0xFFFFFFC0];
	[tilespmem:s14+$0x1020 ss:$0x81] =	vst.msk $0xffff, v6;
	s15 =	sadd.s32 $0x80, s15  }
0x32: {  	s17 =	sadd.s32 $0x4, s17;
	v4 =	vld [tilespmem:s15+$0x30];
	[tilespmem:s14+$0x1830 ss:$0x81] =	vst.msk $0xffff, v7  }
0x33: {  	v5 =	vld [tilespmem:s15+$0xFFFFFFD0];
	[tilespmem:s14+$0x2040 ss:$0x81] =	vst.msk $0xffff, v1  }
0x34: {  	v58 =	vld [tilespmem:s15+$0xFFFFFFE0];
	[tilespmem:s14+$0x2850 ss:$0x81] =	vst.msk $0xffff, v2  }
0x35: {  	s16 =	sshra.s32 s16, $0x2;
	v59 =	vld [tilespmem:s15+$0xFFFFFFF0];
	[tilespmem:s14+$0x3060 ss:$0x81] =	vst.msk $0xffff, v3  }
0x36: {  	v60 =	vld [tilespmem:s15+$0x0];
	s13 =	sadd.s32 s16, s13;
	[tilespmem:s14+$0x0 ss:$0x81] =	vst.msk $0xffff, v0  }
0x37: {  	v61 =	vld [tilespmem:s15+$0x10];
	[tilespmem:s13+$0x3870 ss:$0x81] =	vst.msk $0xffff, v4  }
0x38: {  	v62 =	vld [tilespmem:s15+$0x20];
	[tilespmem:s13+$0x810 ss:$0x81] =	vst.msk $0xffff, v5  }
0x39: {  	v63 =	vld [tilespmem:s15+$0xFFFFFFC0];
	[tilespmem:s13+$0x1020 ss:$0x81] =	vst.msk $0xffff, v58  }
0x3a: {  	s28 =	sshll.u32 s10, $0x3;
	s29 =	sand.u32 $0x78, s10;
	s11 =	sshll.u32 s11, $0x10;
	[tilespmem:s13+$0x1830 ss:$0x81] =	vst.msk $0xffff, v59  }
.Ltmp4:
0x3b: {  	s30 =	sand.u32 $0xFE00, s10;
	s14 =	sand.u32 $0xC00, s28;
	[tilespmem:s13+$0x2040 ss:$0x81] =	vst.msk $0xffff, v60;
	(pc) =	sbr.rel .LBB1_5-.Ltmp4, $4  }
0x3c: {  	s31 =	sand.u32 $0x7, s10;
	s11 =	sadd.s32 s4, s11;
	s14 =	sor.u32 s29, s14;
	[tilespmem:s13+$0x2850 ss:$0x81] =	vst.msk $0xffff, v61  }
0x3d: {  	s10 =	sshll.u32 s31, $0x12;
	s11 =	sadd.s32 s30, s11;
	[tilespmem:s13+$0x3060 ss:$0x81] =	vst.msk $0xffff, v62;
	s14 =	sshrl.u32 s14, $0x3  }
0x3e: {  	s10 =	sor.u32 $0x400, s10;
	[tilespmem:s13+$0x0 ss:$0x81] =	vst.msk $0xffff, v63;
	s11 =	sadd.s32 s14, s11  }
0x3f: {  	[hbm4b:s11+s10] =	stream.strided.scatter [tilespmem:s12], [sflag:$0x2], $0x4000, s6, s10, $0x20;
	[tilespmem:$0x10100] =	vst v63  }
.LBB1_6:
0x40: {  	_ =	sfence.sel $0x180000  }
0x41: {  	s2 =	simm.s32 $0x1;
	[bflag:$0x0] =	sbarrier.arrive $0xFFFF  }
0x42: {  	s31 =	simm.s32 $0x2;
	[sflag:s2] =	ssyncpa.u1 $0x1  }
0x43: {  	[sflag:s31] =	ssyncpa.u1 $0x1  }
0x44: {  	p0 =	sne.s32 s1, $0x0;
	_ =	strace $0x90000047  }
0x45: {  	s0 =	sadd.s32 @!p0 $0x100000, s0;
	[bflag:$0x2] =	sbarrier.arrive $0xFFFF  }
0x46: {  	[sflag:s0] =	ssyncadd.tile.s32 @!p0 $0x1;
	_ =	shalt  }
.Lfunc_end1:
_tile_overlayer_lowered:
.L_overlay_start_2:
0x47: {  	(tag) =	ssettag $0x2  }
0x48: {  	s0 =	rddreg [dreg:$0x0];
	s2 =	stileid.u32  }
0x49: {  	s1 =	rddreg [dreg:$0x1];
	p0 =	sne.s32 s2, $0x0  }
0x4a: {  	s3 =	rddreg [dreg:$0x2];
	[bflag:$0x3] =	sbarrier.arrive $0xFFFF;
	s2 =	simm.s32 @!p0 $0x1C01  }
0x4b: {  	[timem:s3], [sflag:s2] =	dma.local @!p0 [hbm:s0], s1  }
0x4c: {  	s0 =	simm.s32 @!p0 $0x1  }
0x4d: {  	_ =	swait.ge @!p0 [sflag:s0], s1  }
0x4e: {  	s1 =	ssub.s32 @!p0 $0x0, s1;
	[sflag:s0] =	ssyncset.done @!p0 $0x0  }
0x4f: {  	[sflag:s0] =	ssyncadd.s32 @!p0 s1  }
0x50: {  	[bflag:$0x3] =	sbarrier.arrive $0xFFFF  }
0x51: {  	_ =	shalt  }

</sc_bundles>
